<compile_context>
chip_gen: v7x
topology: tpu7x:2x2x1
jax: 0.10.2.dev20260603
libtpu: 0.0.44.dev20260713+nightly
codegen_flags: <defaults>
</compile_context>

<pallas_src>
import functools

import jax
import jax.numpy as jnp
from jax import lax
from jax.experimental import pallas as pl
from jax.experimental.pallas import tpu as pltpu
from jax.experimental.pallas import tpu_sc as plsc

_CW = 128
_BN = 16384


def _make_sc_gather(num_rows, emb_dim, chunks_per_worker, table_dtype):
    rows_per_worker = chunks_per_worker * _CW
    mesh = plsc.VectorSubcoreMesh(core_axis_name="c", subcore_axis_name="s")
    num_cores = plsc.get_sparse_core_info().num_cores

    @functools.partial(
        pl.kernel,
        mesh=mesh,
        out_type=jax.ShapeDtypeStruct((num_rows, emb_dim), table_dtype),
        scratch_types=[
            pltpu.VMEM((chunks_per_worker, _CW), jnp.int32),
            pltpu.VMEM((2, _CW, emb_dim), table_dtype),
            pltpu.SemaphoreType.DMA,
            pltpu.SemaphoreType.DMA,
        ],
        compiler_params=pltpu.CompilerParams(use_tc_tiling_on_sc=False),
    )
    def gather_k(table_hbm, idx_hbm, out_hbm, idx_v, rows_v, gsem0, gsem1):
        wid = lax.axis_index("s") * num_cores + lax.axis_index("c")
        pltpu.sync_copy(
            idx_hbm.at[pl.ds(wid * chunks_per_worker, chunks_per_worker)], idx_v
        )
        base_row = wid * rows_per_worker
        gsems = (gsem0, gsem1)
        npairs = chunks_per_worker // 2

        def start_gather(j, buf):
            pltpu.async_copy(table_hbm.at[idx_v.at[j]], rows_v.at[buf], gsems[buf])

        def wait_gather(buf):
            pltpu.make_async_copy(
                table_hbm.at[idx_v.at[0]], rows_v.at[buf], gsems[buf]
            ).wait()

        start_gather(0, 0)

        def body(i, carry):
            ja = 2 * i
            start_gather(ja + 1, 1)
            wait_gather(0)
            pltpu.sync_copy(
                rows_v.at[0], out_hbm.at[pl.ds(base_row + ja * _CW, _CW)]
            )

            @pl.when(i < npairs - 1)
            def _():
                start_gather(ja + 2, 0)

            wait_gather(1)
            pltpu.sync_copy(
                rows_v.at[1], out_hbm.at[pl.ds(base_row + (ja + 1) * _CW, _CW)]
            )
            return carry

        lax.fori_loop(0, npairs, body, 0)

    return gather_k


def _fuse_body(t_ref, w_ref, out_ref):
    dn = (((0,), (1,)), ((), ()))
    proj = lax.dot_general(
        t_ref[...], w_ref[...], dn, preferred_element_type=jnp.float32
    )
    out_ref[...] = jnp.concatenate(
        [proj[: _BN // 2], proj[_BN // 2 :]], axis=1
    )


def _xpose_body(in_ref, out_ref):
    half = in_ref.shape[1] // 2
    left = in_ref[:, :half]
    right = in_ref[:, half:]
    out_ref[...] = jnp.concatenate([left.T, right.T], axis=1)


def kernel(input, table, W):
    B, L = input.shape
    V, D = table.shape
    O = W.shape[0]
    n = B * L

    nblk = (V + _BN - 1) // _BN
    vpad = nblk * _BN

    q = jnp.arange(B // 2, dtype=jnp.int32)
    b_order = jnp.stack([q, q + B // 2], axis=1).reshape(-1)
    idx = input.T.astype(jnp.int32)[:, b_order].reshape(-1)

    j = idx % _BN
    ridx = (idx - j) + 2 * (j % (_BN // 2)) + j // (_BN // 2)
    ridx = ridx.reshape(n // _CW, _CW)

    tableT = table.T
    fused2 = pl.pallas_call(
        _fuse_body,
        grid=(nblk,),
        in_specs=[
            pl.BlockSpec((D, _BN), lambda i: (0, i)),
            pl.BlockSpec((O, D), lambda i: (0, 0)),
        ],
        out_specs=pl.BlockSpec((_BN // 2, 2 * O), lambda i: (i, 0)),
        out_shape=jax.ShapeDtypeStruct((vpad // 2, 2 * O), jnp.float32),
        compiler_params=pltpu.CompilerParams(
            dimension_semantics=("parallel",),
        ),
    )(tableT, W)
    fused_lin = fused2.reshape(vpad, O)

    chunks_per_worker = n // (_CW * 32)
    gather_k = _make_sc_gather(n, O, chunks_per_worker, fused_lin.dtype)
    out = gather_k(fused_lin, ridx)
    out_pairs = out.reshape(n // 2, 2 * O)

    xposed = pl.pallas_call(
        _xpose_body,
        grid=(L,),
        in_specs=[pl.BlockSpec((B // 2, 2 * O), lambda i: (i, 0))],
        out_specs=pl.BlockSpec((O, B), lambda i: (i, 0)),
        out_shape=jax.ShapeDtypeStruct((L * O, B), jnp.float32),
        compiler_params=pltpu.CompilerParams(
            dimension_semantics=("parallel",),
        ),
    )(out_pairs)

    return xposed.reshape(L, O, B).transpose(2, 0, 1)

# --- scband reference (transcript-rebuilt; emitter-appended) ---
"""Pipeline reference for scband-embedding-fusion-16492674417074 (READ-ONLY COPY).

The authoritative reference and input builder live on the scoring server;
editing this copy changes nothing except your own understanding.
"""

import jax, jax.numpy as jnp
import numpy as np

NUM_EMBEDDINGS = 1000000
EMBEDDING_DIM = 64
OUTPUT_SIZE = 64

def setup_inputs(seed: int = 0) -> dict:
    key = jax.random.key(seed)
    k1, k2, k3 = jax.random.split(key, 3)
    input_idx = jax.random.randint(k1, (16384, 50), 0, NUM_EMBEDDINGS, dtype=jnp.int64) if jax.config.jax_enable_x64 else jax.random.randint(k1, (16384, 50), 0, NUM_EMBEDDINGS, dtype=jnp.int32)
    table = jax.random.normal(k2, (NUM_EMBEDDINGS, EMBEDDING_DIM), dtype=jnp.float32)
    # torch Linear weight has shape [out_features, in_features]
    W = jax.random.normal(k3, (OUTPUT_SIZE, EMBEDDING_DIM), dtype=jnp.float32) * (1.0 / np.sqrt(EMBEDDING_DIM))
    return {"input": input_idx, "table": table, "W": W}

def reference(input, table, W):
    # nn.Embedding lookup
    emb = jnp.take(table, input, axis=0)            # [B, L, D]
    # nn.Dropout in eval mode is identity
    # nn.Linear(embedding_dim, output_size, bias=False): y = emb @ W.T
    out = emb @ W.T                                  # [B, L, OUTPUT_SIZE]
    return out

if __name__ == "__main__":
    import jax
    _d = setup_inputs()
    print(jax.jit(kernel)(*tuple(_d.values())))

</pallas_src>

<mosaic_0001>
#map = affine_map<(d0, d1) -> (0, 0)>
module attributes {stable_mosaic.version = 14 : i64} {
  func.func @gather_k(%arg0: i32, %arg1: i32, %arg2: memref<1015808x64xf32, #tpu.memory_space<hbm>>, %arg3: memref<6400x128xi32, #tpu.memory_space<hbm>>, %arg4: memref<819200x64xf32, #tpu.memory_space<hbm>>, %arg5: memref<200x128xi32, #tpu.memory_space<vmem>>, %arg6: memref<2x128x64xf32, #tpu.memory_space<vmem>>, %arg7: memref<!tpu.dma_semaphore, #tpu.memory_space<semaphore_mem>>, %arg8: memref<!tpu.dma_semaphore, #tpu.memory_space<semaphore_mem>>) attributes {dimension_semantics = [#tpu.dimension_semantics<core_parallel>, #tpu.dimension_semantics<subcore_parallel>], iteration_bounds = array<i64: 2, 16>, scalar_prefetch = 0 : i64, scratch_operands = 4 : i64, tpu.core_type = #tpu.core_type<sc_vector_subcore>, window_params = [{transform_indices = #map}, {transform_indices = #map}, {transform_indices = #map}]} {
    %mul3A = arith.constant 2 : i32
    %mul3A_0 = arith.muli %arg1, %mul3A : i32
    %add3A = arith.addi %mul3A_0, %arg0 : i32
    %mul3A_1 = arith.constant 200 : i32
    %mul3A_2 = arith.muli %add3A, %mul3A_1 : i32
    "tpu.region"() ({
      %run_scoped3A = tpu.sem_alloc : memref<!tpu.dma_semaphore, #tpu.memory_space<semaphore_mem>>
      %dma_start3A_21 = arith.constant 0 : i32
      %dma_start3A_22 = tpu.memref_slice %arg3[%mul3A_2, %dma_start3A_21] : memref<6400x128xi32, #tpu.memory_space<hbm>> -> memref<200x128xi32, #tpu.memory_space<hbm>>
      %dma_start3A_23 = arith.constant 0 : i32
      %dma_start3A_24 = tpu.memref_slice %arg3[%mul3A_2, %dma_start3A_23] : memref<6400x128xi32, #tpu.memory_space<hbm>> -> memref<200x128xi32, #tpu.memory_space<hbm>>
      tpu.enqueue_dma source(%dma_start3A_24 : memref<200x128xi32, #tpu.memory_space<hbm>>) target(%arg5 : memref<200x128xi32, #tpu.memory_space<vmem>>) target_semaphore(%run_scoped3A : memref<!tpu.dma_semaphore, #tpu.memory_space<semaphore_mem>>)
      %dma_wait3A = arith.constant 0 : i32
      %dma_wait3A_25 = tpu.memref_slice %arg3[%mul3A_2, %dma_wait3A] : memref<6400x128xi32, #tpu.memory_space<hbm>> -> memref<200x128xi32, #tpu.memory_space<hbm>>
      %dma_wait3A_26 = arith.constant 0 : i32
      %dma_wait3A_27 = tpu.memref_slice %arg3[%mul3A_2, %dma_wait3A_26] : memref<6400x128xi32, #tpu.memory_space<hbm>> -> memref<200x128xi32, #tpu.memory_space<hbm>>
      tpu.wait_dma2 semaphore(%run_scoped3A : memref<!tpu.dma_semaphore, #tpu.memory_space<semaphore_mem>>) src(%dma_wait3A_27 : memref<200x128xi32, #tpu.memory_space<hbm>>) dst(%arg5 : memref<200x128xi32, #tpu.memory_space<vmem>>)
      tpu.yield
    }) : () -> ()
    %mul3A_3 = arith.constant 25600 : i32
    %mul3A_4 = arith.muli %add3A, %mul3A_3 : i32
    %dma_start3A = arith.constant 0 : i32
    %dma_start3A_5 = arith.constant 0 : i32
    %dma_start3A_6 = arith.constant 0 : i32
    %dma_start3A_7 = arith.constant 0 : i32
    %dma_start3A_8 = tpu.memref_slice %arg6[%dma_start3A_5, %dma_start3A_6, %dma_start3A_7] : memref<2x128x64xf32, #tpu.memory_space<vmem>> -> memref<1x128x64xf32, #tpu.memory_space<vmem>>
    %dma_start3A_9 = tpu.memref_squeeze %dma_start3A_8 : memref<1x128x64xf32, #tpu.memory_space<vmem>> -> memref<128x64xf32, #tpu.memory_space<vmem>>
    %dma_start3A_10 = arith.constant 0 : i32
    %dma_start3A_11 = tpu.memref_slice %arg5[%dma_start3A, %dma_start3A_10] : memref<200x128xi32, #tpu.memory_space<vmem>> -> memref<1x128xi32, #tpu.memory_space<vmem>>
    %dma_start3A_12 = tpu.memref_squeeze %dma_start3A_11 : memref<1x128xi32, #tpu.memory_space<vmem>> -> memref<128xi32, #tpu.memory_space<vmem>>
    %dma_start3A_13 = arith.constant 0 : i32
    %dma_start3A_14 = arith.constant 0 : i32
    %dma_start3A_15 = tpu.memref_slice %arg2[%dma_start3A_13, %dma_start3A_14] : memref<1015808x64xf32, #tpu.memory_space<hbm>> -> memref<1015808x64xf32, #tpu.memory_space<hbm>>
    tpu.enqueue_indirect_dma source(%dma_start3A_15 : memref<1015808x64xf32, #tpu.memory_space<hbm>>) target(%dma_start3A_9 : memref<128x64xf32, #tpu.memory_space<vmem>>) offsets(%dma_start3A_12 : memref<128xi32, #tpu.memory_space<vmem>>) semaphore(%arg7 : memref<!tpu.dma_semaphore, #tpu.memory_space<semaphore_mem>>)
    %scan3A = arith.constant 0 : i32
    %scan3A_16 = arith.constant 0 : i32
    %scan3A_17 = arith.constant 100 : i32
    %scan3A_18 = arith.addi %scan3A_16, %scan3A_17 : i32
    %scan3A_19 = arith.constant 1 : i32
    scf.for %scan3A_21 = %scan3A_16 to %scan3A_18 step %scan3A_19  : i32 {
      %mul3A_22 = arith.constant 2 : i32
      %mul3A_23 = arith.muli %mul3A_22, %scan3A_21 : i32
      %add3A_24 = arith.constant 1 : i32
      %add3A_25 = arith.addi %mul3A_23, %add3A_24 : i32
      %dma_start3A_26 = arith.constant 1 : i32
      %dma_start3A_27 = arith.constant 0 : i32
      %dma_start3A_28 = arith.constant 0 : i32
      %dma_start3A_29 = tpu.memref_slice %arg6[%dma_start3A_26, %dma_start3A_27, %dma_start3A_28] : memref<2x128x64xf32, #tpu.memory_space<vmem>> -> memref<1x128x64xf32, #tpu.memory_space<vmem>>
      %dma_start3A_30 = tpu.memref_squeeze %dma_start3A_29 : memref<1x128x64xf32, #tpu.memory_space<vmem>> -> memref<128x64xf32, #tpu.memory_space<vmem>>
      %dma_start3A_31 = arith.constant 0 : i32
      %dma_start3A_32 = tpu.memref_slice %arg5[%add3A_25, %dma_start3A_31] : memref<200x128xi32, #tpu.memory_space<vmem>> -> memref<1x128xi32, #tpu.memory_space<vmem>>
      %dma_start3A_33 = tpu.memref_squeeze %dma_start3A_32 : memref<1x128xi32, #tpu.memory_space<vmem>> -> memref<128xi32, #tpu.memory_space<vmem>>
      %dma_start3A_34 = arith.constant 0 : i32
      %dma_start3A_35 = arith.constant 0 : i32
      %dma_start3A_36 = tpu.memref_slice %arg2[%dma_start3A_34, %dma_start3A_35] : memref<1015808x64xf32, #tpu.memory_space<hbm>> -> memref<1015808x64xf32, #tpu.memory_space<hbm>>
      tpu.enqueue_indirect_dma source(%dma_start3A_36 : memref<1015808x64xf32, #tpu.memory_space<hbm>>) target(%dma_start3A_30 : memref<128x64xf32, #tpu.memory_space<vmem>>) offsets(%dma_start3A_33 : memref<128xi32, #tpu.memory_space<vmem>>) semaphore(%arg8 : memref<!tpu.dma_semaphore, #tpu.memory_space<semaphore_mem>>)
      %dma_wait3A = arith.constant 0 : i32
      %dma_wait3A_37 = arith.constant 0 : i32
      %dma_wait3A_38 = arith.constant 0 : i32
      %dma_wait3A_39 = arith.constant 0 : i32
      %dma_wait3A_40 = tpu.memref_slice %arg6[%dma_wait3A_37, %dma_wait3A_38, %dma_wait3A_39] : memref<2x128x64xf32, #tpu.memory_space<vmem>> -> memref<1x128x64xf32, #tpu.memory_space<vmem>>
      %dma_wait3A_41 = tpu.memref_squeeze %dma_wait3A_40 : memref<1x128x64xf32, #tpu.memory_space<vmem>> -> memref<128x64xf32, #tpu.memory_space<vmem>>
      %dma_wait3A_42 = arith.constant 0 : i32
      %dma_wait3A_43 = tpu.memref_slice %arg5[%dma_wait3A, %dma_wait3A_42] : memref<200x128xi32, #tpu.memory_space<vmem>> -> memref<1x128xi32, #tpu.memory_space<vmem>>
      %dma_wait3A_44 = tpu.memref_squeeze %dma_wait3A_43 : memref<1x128xi32, #tpu.memory_space<vmem>> -> memref<128xi32, #tpu.memory_space<vmem>>
      %dma_wait3A_45 = arith.constant 0 : i32
      %dma_wait3A_46 = arith.constant 0 : i32
      %dma_wait3A_47 = tpu.memref_slice %arg2[%dma_wait3A_45, %dma_wait3A_46] : memref<1015808x64xf32, #tpu.memory_space<hbm>> -> memref<1015808x64xf32, #tpu.memory_space<hbm>>
      tpu.wait_indirect_dma semaphore(%arg7 : memref<!tpu.dma_semaphore, #tpu.memory_space<semaphore_mem>>) src(%dma_wait3A_47 : memref<1015808x64xf32, #tpu.memory_space<hbm>>) dst(%dma_wait3A_41 : memref<128x64xf32, #tpu.memory_space<vmem>>)
      %mul3A_48 = arith.constant 128 : i32
      %mul3A_49 = arith.muli %mul3A_23, %mul3A_48 : i32
      %add3A_50 = arith.addi %mul3A_4, %mul3A_49 : i32
      %run_scoped3A = arith.constant 0 : i32
      "tpu.region"() ({
        %run_scoped3A_71 = tpu.sem_alloc : memref<!tpu.dma_semaphore, #tpu.memory_space<semaphore_mem>>
        %dma_start3A_72 = arith.constant 0 : i32
        %dma_start3A_73 = arith.constant 0 : i32
        %dma_start3A_74 = tpu.memref_slice %arg6[%run_scoped3A, %dma_start3A_72, %dma_start3A_73] : memref<2x128x64xf32, #tpu.memory_space<vmem>> -> memref<1x128x64xf32, #tpu.memory_space<vmem>>
        %dma_start3A_75 = tpu.memref_squeeze %dma_start3A_74 : memref<1x128x64xf32, #tpu.memory_space<vmem>> -> memref<128x64xf32, #tpu.memory_space<vmem>>
        %dma_start3A_76 = arith.constant 0 : i32
        %dma_start3A_77 = tpu.memref_slice %arg4[%add3A_50, %dma_start3A_76] : memref<819200x64xf32, #tpu.memory_space<hbm>> -> memref<128x64xf32, #tpu.memory_space<hbm>>
        %dma_start3A_78 = arith.constant 0 : i32
        %dma_start3A_79 = tpu.memref_slice %arg4[%add3A_50, %dma_start3A_78] : memref<819200x64xf32, #tpu.memory_space<hbm>> -> memref<128x64xf32, #tpu.memory_space<hbm>>
        %dma_start3A_80 = arith.constant 0 : i32
        %dma_start3A_81 = arith.constant 0 : i32
        %dma_start3A_82 = tpu.memref_slice %arg6[%run_scoped3A, %dma_start3A_80, %dma_start3A_81] : memref<2x128x64xf32, #tpu.memory_space<vmem>> -> memref<1x128x64xf32, #tpu.memory_space<vmem>>
        %dma_start3A_83 = tpu.memref_squeeze %dma_start3A_82 : memref<1x128x64xf32, #tpu.memory_space<vmem>> -> memref<128x64xf32, #tpu.memory_space<vmem>>
        tpu.enqueue_dma source(%dma_start3A_83 : memref<128x64xf32, #tpu.memory_space<vmem>>) target(%dma_start3A_79 : memref<128x64xf32, #tpu.memory_space<hbm>>) target_semaphore(%run_scoped3A_71 : memref<!tpu.dma_semaphore, #tpu.memory_space<semaphore_mem>>)
        %dma_wait3A_84 = arith.constant 0 : i32
        %dma_wait3A_85 = arith.constant 0 : i32
        %dma_wait3A_86 = tpu.memref_slice %arg6[%run_scoped3A, %dma_wait3A_84, %dma_wait3A_85] : memref<2x128x64xf32, #tpu.memory_space<vmem>> -> memref<1x128x64xf32, #tpu.memory_space<vmem>>
        %dma_wait3A_87 = tpu.memref_squeeze %dma_wait3A_86 : memref<1x128x64xf32, #tpu.memory_space<vmem>> -> memref<128x64xf32, #tpu.memory_space<vmem>>
        %dma_wait3A_88 = arith.constant 0 : i32
        %dma_wait3A_89 = tpu.memref_slice %arg4[%add3A_50, %dma_wait3A_88] : memref<819200x64xf32, #tpu.memory_space<hbm>> -> memref<128x64xf32, #tpu.memory_space<hbm>>
        %dma_wait3A_90 = arith.constant 0 : i32
        %dma_wait3A_91 = tpu.memref_slice %arg4[%add3A_50, %dma_wait3A_90] : memref<819200x64xf32, #tpu.memory_space<hbm>> -> memref<128x64xf32, #tpu.memory_space<hbm>>
        %dma_wait3A_92 = arith.constant 0 : i32
        %dma_wait3A_93 = arith.constant 0 : i32
        %dma_wait3A_94 = tpu.memref_slice %arg6[%run_scoped3A, %dma_wait3A_92, %dma_wait3A_93] : memref<2x128x64xf32, #tpu.memory_space<vmem>> -> memref<1x128x64xf32, #tpu.memory_space<vmem>>
        %dma_wait3A_95 = tpu.memref_squeeze %dma_wait3A_94 : memref<1x128x64xf32, #tpu.memory_space<vmem>> -> memref<128x64xf32, #tpu.memory_space<vmem>>
        tpu.wait_dma2 semaphore(%run_scoped3A_71 : memref<!tpu.dma_semaphore, #tpu.memory_space<semaphore_mem>>) src(%dma_wait3A_95 : memref<128x64xf32, #tpu.memory_space<vmem>>) dst(%dma_wait3A_91 : memref<128x64xf32, #tpu.memory_space<hbm>>)
        tpu.yield
      }) : () -> ()
      %lt3A = arith.constant 99 : i32
      %lt3A_51 = arith.cmpi slt, %scan3A_21, %lt3A : i32
      %convert_element_type3A = arith.extui %lt3A_51 : i1 to i32
      %cond3A = arith.constant 0 : i32
      %cond3A_52 = arith.cmpi ne, %convert_element_type3A, %cond3A : i32
      scf.if %cond3A_52 {
        %add3A_71 = arith.constant 2 : i32
        %add3A_72 = arith.addi %mul3A_23, %add3A_71 : i32
        %dma_start3A_73 = arith.constant 0 : i32
        %dma_start3A_74 = arith.constant 0 : i32
        %dma_start3A_75 = arith.constant 0 : i32
        %dma_start3A_76 = tpu.memref_slice %arg6[%dma_start3A_73, %dma_start3A_74, %dma_start3A_75] : memref<2x128x64xf32, #tpu.memory_space<vmem>> -> memref<1x128x64xf32, #tpu.memory_space<vmem>>
        %dma_start3A_77 = tpu.memref_squeeze %dma_start3A_76 : memref<1x128x64xf32, #tpu.memory_space<vmem>> -> memref<128x64xf32, #tpu.memory_space<vmem>>
        %dma_start3A_78 = arith.constant 0 : i32
        %dma_start3A_79 = tpu.memref_slice %arg5[%add3A_72, %dma_start3A_78] : memref<200x128xi32, #tpu.memory_space<vmem>> -> memref<1x128xi32, #tpu.memory_space<vmem>>
        %dma_start3A_80 = tpu.memref_squeeze %dma_start3A_79 : memref<1x128xi32, #tpu.memory_space<vmem>> -> memref<128xi32, #tpu.memory_space<vmem>>
        %dma_start3A_81 = arith.constant 0 : i32
        %dma_start3A_82 = arith.constant 0 : i32
        %dma_start3A_83 = tpu.memref_slice %arg2[%dma_start3A_81, %dma_start3A_82] : memref<1015808x64xf32, #tpu.memory_space<hbm>> -> memref<1015808x64xf32, #tpu.memory_space<hbm>>
        tpu.enqueue_indirect_dma source(%dma_start3A_83 : memref<1015808x64xf32, #tpu.memory_space<hbm>>) target(%dma_start3A_77 : memref<128x64xf32, #tpu.memory_space<vmem>>) offsets(%dma_start3A_80 : memref<128xi32, #tpu.memory_space<vmem>>) semaphore(%arg7 : memref<!tpu.dma_semaphore, #tpu.memory_space<semaphore_mem>>)
      } else {
      }
      %dma_wait3A_53 = arith.constant 0 : i32
      %dma_wait3A_54 = arith.constant 1 : i32
      %dma_wait3A_55 = arith.constant 0 : i32
      %dma_wait3A_56 = arith.constant 0 : i32
      %dma_wait3A_57 = tpu.memref_slice %arg6[%dma_wait3A_54, %dma_wait3A_55, %dma_wait3A_56] : memref<2x128x64xf32, #tpu.memory_space<vmem>> -> memref<1x128x64xf32, #tpu.memory_space<vmem>>
      %dma_wait3A_58 = tpu.memref_squeeze %dma_wait3A_57 : memref<1x128x64xf32, #tpu.memory_space<vmem>> -> memref<128x64xf32, #tpu.memory_space<vmem>>
      %dma_wait3A_59 = arith.constant 0 : i32
      %dma_wait3A_60 = tpu.memref_slice %arg5[%dma_wait3A_53, %dma_wait3A_59] : memref<200x128xi32, #tpu.memory_space<vmem>> -> memref<1x128xi32, #tpu.memory_space<vmem>>
      %dma_wait3A_61 = tpu.memref_squeeze %dma_wait3A_60 : memref<1x128xi32, #tpu.memory_space<vmem>> -> memref<128xi32, #tpu.memory_space<vmem>>
      %dma_wait3A_62 = arith.constant 0 : i32
      %dma_wait3A_63 = arith.constant 0 : i32
      %dma_wait3A_64 = tpu.memref_slice %arg2[%dma_wait3A_62, %dma_wait3A_63] : memref<1015808x64xf32, #tpu.memory_space<hbm>> -> memref<1015808x64xf32, #tpu.memory_space<hbm>>
      tpu.wait_indirect_dma semaphore(%arg8 : memref<!tpu.dma_semaphore, #tpu.memory_space<semaphore_mem>>) src(%dma_wait3A_64 : memref<1015808x64xf32, #tpu.memory_space<hbm>>) dst(%dma_wait3A_58 : memref<128x64xf32, #tpu.memory_space<vmem>>)
      %add3A_65 = arith.constant 1 : i32
      %add3A_66 = arith.addi %mul3A_23, %add3A_65 : i32
      %mul3A_67 = arith.constant 128 : i32
      %mul3A_68 = arith.muli %add3A_66, %mul3A_67 : i32
      %add3A_69 = arith.addi %mul3A_4, %mul3A_68 : i32
      %run_scoped3A_70 = arith.constant 1 : i32
      "tpu.region"() ({
        %run_scoped3A_71 = tpu.sem_alloc : memref<!tpu.dma_semaphore, #tpu.memory_space<semaphore_mem>>
        %dma_start3A_72 = arith.constant 0 : i32
        %dma_start3A_73 = arith.constant 0 : i32
        %dma_start3A_74 = tpu.memref_slice %arg6[%run_scoped3A_70, %dma_start3A_72, %dma_start3A_73] : memref<2x128x64xf32, #tpu.memory_space<vmem>> -> memref<1x128x64xf32, #tpu.memory_space<vmem>>
        %dma_start3A_75 = tpu.memref_squeeze %dma_start3A_74 : memref<1x128x64xf32, #tpu.memory_space<vmem>> -> memref<128x64xf32, #tpu.memory_space<vmem>>
        %dma_start3A_76 = arith.constant 0 : i32
        %dma_start3A_77 = tpu.memref_slice %arg4[%add3A_69, %dma_start3A_76] : memref<819200x64xf32, #tpu.memory_space<hbm>> -> memref<128x64xf32, #tpu.memory_space<hbm>>
        %dma_start3A_78 = arith.constant 0 : i32
        %dma_start3A_79 = tpu.memref_slice %arg4[%add3A_69, %dma_start3A_78] : memref<819200x64xf32, #tpu.memory_space<hbm>> -> memref<128x64xf32, #tpu.memory_space<hbm>>
        %dma_start3A_80 = arith.constant 0 : i32
        %dma_start3A_81 = arith.constant 0 : i32
        %dma_start3A_82 = tpu.memref_slice %arg6[%run_scoped3A_70, %dma_start3A_80, %dma_start3A_81] : memref<2x128x64xf32, #tpu.memory_space<vmem>> -> memref<1x128x64xf32, #tpu.memory_space<vmem>>
        %dma_start3A_83 = tpu.memref_squeeze %dma_start3A_82 : memref<1x128x64xf32, #tpu.memory_space<vmem>> -> memref<128x64xf32, #tpu.memory_space<vmem>>
        tpu.enqueue_dma source(%dma_start3A_83 : memref<128x64xf32, #tpu.memory_space<vmem>>) target(%dma_start3A_79 : memref<128x64xf32, #tpu.memory_space<hbm>>) target_semaphore(%run_scoped3A_71 : memref<!tpu.dma_semaphore, #tpu.memory_space<semaphore_mem>>)
        %dma_wait3A_84 = arith.constant 0 : i32
        %dma_wait3A_85 = arith.constant 0 : i32
        %dma_wait3A_86 = tpu.memref_slice %arg6[%run_scoped3A_70, %dma_wait3A_84, %dma_wait3A_85] : memref<2x128x64xf32, #tpu.memory_space<vmem>> -> memref<1x128x64xf32, #tpu.memory_space<vmem>>
        %dma_wait3A_87 = tpu.memref_squeeze %dma_wait3A_86 : memref<1x128x64xf32, #tpu.memory_space<vmem>> -> memref<128x64xf32, #tpu.memory_space<vmem>>
        %dma_wait3A_88 = arith.constant 0 : i32
        %dma_wait3A_89 = tpu.memref_slice %arg4[%add3A_69, %dma_wait3A_88] : memref<819200x64xf32, #tpu.memory_space<hbm>> -> memref<128x64xf32, #tpu.memory_space<hbm>>
        %dma_wait3A_90 = arith.constant 0 : i32
        %dma_wait3A_91 = tpu.memref_slice %arg4[%add3A_69, %dma_wait3A_90] : memref<819200x64xf32, #tpu.memory_space<hbm>> -> memref<128x64xf32, #tpu.memory_space<hbm>>
        %dma_wait3A_92 = arith.constant 0 : i32
        %dma_wait3A_93 = arith.constant 0 : i32
        %dma_wait3A_94 = tpu.memref_slice %arg6[%run_scoped3A_70, %dma_wait3A_92, %dma_wait3A_93] : memref<2x128x64xf32, #tpu.memory_space<vmem>> -> memref<1x128x64xf32, #tpu.memory_space<vmem>>
        %dma_wait3A_95 = tpu.memref_squeeze %dma_wait3A_94 : memref<1x128x64xf32, #tpu.memory_space<vmem>> -> memref<128x64xf32, #tpu.memory_space<vmem>>
        tpu.wait_dma2 semaphore(%run_scoped3A_71 : memref<!tpu.dma_semaphore, #tpu.memory_space<semaphore_mem>>) src(%dma_wait3A_95 : memref<128x64xf32, #tpu.memory_space<vmem>>) dst(%dma_wait3A_91 : memref<128x64xf32, #tpu.memory_space<hbm>>)
        tpu.yield
      }) : () -> ()
    }
    %scan3A_20 = arith.constant 100 : i32
    return
  }
}

module attributes {stable_mosaic.version = 14 : i64} {
  func.func @_fuse_body(%arg0: i32, %arg1: memref<64x16384xf32, #tpu.memory_space<vmem>>, %arg2: memref<64x64xf32, #tpu.memory_space<vmem>>, %arg3: memref<8192x128xf32, #tpu.memory_space<vmem>>) attributes {dimension_semantics = [#tpu.dimension_semantics<parallel>], iteration_bounds = array<i64: 62>, scalar_prefetch = 0 : i64, scratch_operands = 0 : i64, tpu.core_type = #tpu.core_type<tc>, window_params = [{transform_indices = @transform_0, window_bounds = array<i64: 64, 16384>}, {pipeline_mode = #tpu.pipeline_mode<synchronous>, transform_indices = @transform_1, window_bounds = array<i64: 64, 64>}, {transform_indices = @transform_2, window_bounds = array<i64: 8192, 128>}]} {
    %get3A = arith.constant 0 : index
    %get3A_0 = arith.constant 0 : index
    %get3A_1 = vector.load %arg1[%get3A, %get3A_0] : memref<64x16384xf32, #tpu.memory_space<vmem>>, vector<64x16384xf32>
    %get3A_2 = arith.constant 0 : index
    %get3A_3 = arith.constant 0 : index
    %get3A_4 = vector.load %arg2[%get3A_2, %get3A_3] : memref<64x64xf32, #tpu.memory_space<vmem>>, vector<64x64xf32>
    %dot_general3A = arith.constant dense<0.000000e+00> : vector<16384x64xf32>
    %dot_general3A_5 = tpu.matmul %get3A_1, %get3A_4, %dot_general3A {dimension_numbers = #tpu.dot_dimension_numbers<[0], [1], [1], [0], [0, 1, 1, 0], [], []>, transpose_lhs_hint = false} : vector<64x16384xf32>, vector<64x64xf32>, vector<16384x64xf32> -> vector<16384x64xf32>
    %slice3A = vector.extract_strided_slice %dot_general3A_5 {offsets = [0, 0], sizes = [8192, 64], strides = [1, 1]} : vector<16384x64xf32> to vector<8192x64xf32>
    %slice3A_6 = vector.extract_strided_slice %dot_general3A_5 {offsets = [8192, 0], sizes = [8192, 64], strides = [1, 1]} : vector<16384x64xf32> to vector<8192x64xf32>
    %concatenate3A = tpu.concatenate %slice3A, %slice3A_6 in 1 : vector<8192x64xf32>, vector<8192x64xf32> -> vector<8192x128xf32>
    %swap3A = arith.constant 0 : index
    %swap3A_7 = arith.constant 0 : index
    %swap3A_8 = vector.load %arg3[%swap3A, %swap3A_7] : memref<8192x128xf32, #tpu.memory_space<vmem>>, vector<8192x128xf32>
    tpu.vector_store %arg3[%swap3A, %swap3A_7], %concatenate3A {strides = array<i32>} : memref<8192x128xf32, #tpu.memory_space<vmem>>, vector<8192x128xf32>,
    return
  }
  func.func @transform_0(%arg0: i32) -> (i32, i32) {
    %c0_i32 = arith.constant 0 : i32
    %c0_i32_0 = arith.constant 0 : i32
    return %c0_i32, %arg0 : i32, i32
  }
  func.func @transform_1(%arg0: i32) -> (i32, i32) {
    %c0_i32 = arith.constant 0 : i32
    %c0_i32_0 = arith.constant 0 : i32
    %c0_i32_1 = arith.constant 0 : i32
    return %c0_i32, %c0_i32_0 : i32, i32
  }
  func.func @transform_2(%arg0: i32) -> (i32, i32) {
    %c0_i32 = arith.constant 0 : i32
    %c0_i32_0 = arith.constant 0 : i32
    return %arg0, %c0_i32 : i32, i32
  }
}

module attributes {stable_mosaic.version = 14 : i64} {
  func.func @_xpose_body(%arg0: i32, %arg1: memref<8192x128xf32, #tpu.memory_space<vmem>>, %arg2: memref<64x16384xf32, #tpu.memory_space<vmem>>) attributes {dimension_semantics = [#tpu.dimension_semantics<parallel>], iteration_bounds = array<i64: 50>, scalar_prefetch = 0 : i64, scratch_operands = 0 : i64, tpu.core_type = #tpu.core_type<tc>, window_params = [{transform_indices = @transform_0, window_bounds = array<i64: 8192, 128>}, {transform_indices = @transform_1, window_bounds = array<i64: 64, 16384>}]} {
    %get3A = arith.constant 0 : index
    %get3A_0 = arith.constant 0 : index
    %get3A_1 = vector.load %arg1[%get3A, %get3A_0] : memref<8192x128xf32, #tpu.memory_space<vmem>>, vector<8192x64xf32>
    %get3A_2 = arith.constant 0 : index
    %get3A_3 = arith.constant 64 : index
    %get3A_4 = vector.load %arg1[%get3A_2, %get3A_3] : memref<8192x128xf32, #tpu.memory_space<vmem>>, vector<8192x64xf32>
    %transpose3A = tpu.transpose %get3A_1, [1, 0] : vector<8192x64xf32> -> vector<64x8192xf32>
    %transpose3A_5 = tpu.transpose %get3A_4, [1, 0] : vector<8192x64xf32> -> vector<64x8192xf32>
    %concatenate3A = tpu.concatenate %transpose3A, %transpose3A_5 in 1 : vector<64x8192xf32>, vector<64x8192xf32> -> vector<64x16384xf32>
    %swap3A = arith.constant 0 : index
    %swap3A_6 = arith.constant 0 : index
    %swap3A_7 = vector.load %arg2[%swap3A, %swap3A_6] : memref<64x16384xf32, #tpu.memory_space<vmem>>, vector<64x16384xf32>
    tpu.vector_store %arg2[%swap3A, %swap3A_6], %concatenate3A {strides = array<i32>} : memref<64x16384xf32, #tpu.memory_space<vmem>>, vector<64x16384xf32>,
    return
  }
  func.func @transform_0(%arg0: i32) -> (i32, i32) {
    %c0_i32 = arith.constant 0 : i32
    %c0_i32_0 = arith.constant 0 : i32
    return %arg0, %c0_i32 : i32, i32
  }
  func.func @transform_1(%arg0: i32) -> (i32, i32) {
    %c0_i32 = arith.constant 0 : i32
    %c0_i32_0 = arith.constant 0 : i32
    return %arg0, %c0_i32 : i32, i32
  }
}

</mosaic_0001>

<sc_bundles>
// kernel: gather_offload_async_start
scs
__scs_entry_jumppad:
0x0: {  	(pc) =	sbr.rel $0x88, $3  }
0x1: {  	(tag) =	ssettag $0x0;
	lr =	simm.s32 $0x1  }
0x2: {  	[smem:$0x3F9E] =	sst lr;
	_ =	strace $0xD0000000  }
0x3: {  	_ = 	snop  }
0x4: {  	_ = 	snop  }
0x5: {  	_ = 	snop  }
0x6: {  	_ = 	snop  }
0x7: {  	_ = 	snop  }
__scs_overlays_trampoline_lowered:
0x8: {  	[smem:$0x3FAD] =	sst s0  }
0x9: {  	[smem:$0x3FAE] =	sst s1  }
0xa: {  	[smem:$0x3FAF] =	sst s2  }
0xb: {  	[smem:$0x3FB0] =	sst s3  }
0xc: {  	[smem:$0x3FB1] =	sst s4  }
0xd: {  	[smem:$0x3FB2] =	sst s5  }
0xe: {  	[smem:$0x3FB3] =	sst s6  }
0xf: {  	[smem:$0x3FB4] =	sst s7  }
0x10: {  	[smem:$0x3FB5] =	sst s8  }
0x11: {  	[smem:$0x3FB6] =	sst s9;
	s0 =	simm.s32 @!p0 $0x0  }
0x12: {  	s1 =	sld [smem:$0x3F9C];
	s0 =	simm.s32 @p0 $0x1  }
0x13: {  	[smem:$0x3FB7] =	sst s0;
	s0 =	simm.s32 @!p1 $0x0  }
0x14: {  	s2 =	sld [smem:$0x3F9B];
	s0 =	simm.s32 @p1 $0x1  }
0x15: {  	[smem:$0x3FB8] =	sst s0;
	s0 =	simm.s32 @!p2 $0x0  }
0x16: {  	s3 =	sld [smem:$0x3FDB];
	s0 =	simm.s32 @p2 $0x1  }
0x17: {  	s4 =	simm.s32 $0x1BF5;
	[smem:$0x3FBA] =	sst s0  }
0x18: {  	s0 =	sld [smem:$0x3F9D];
	_ =	swait.ge [sflag:s4], $0x0  }
0x19: {  	s7 =	sld [smem:$0x3F9E]  }
0x1a: {  	s8 =	sadd.s32 $0xFFFFE003, lr  }
0x1b: {  	s9 =	sadd.s32 $0xFFFFFEF7, lr;
	s5 =	simm.s32 $0xFFFFFFFF;
	p2 =	slt.u32 s8, $0xFFFFF086  }
0x1c: {  	p1 =	slt.u32 s9, $0xF7A;
	s5 =	simm.s32 @!p2 $0x0  }
0x1d: {  	s5 =	simm.s32 @p1 $0x1;
	p0 =	seq.s32 s7, s2  }
0x1e: {  	s7 =	smul.u32 @!p0 $0xF7A, s2;
	p2 =	seq.s32 @!p0 s5, $0x0  }
0x1f: {  	s9 =	smul.u32 $0xF7A, s1;
	s8 =	simm.s32 @!p0 $0x1BF5;
	p2 =	por !p2, p0  }
0x20: {  	[sflag:s8] =	ssyncset.s32 @!p0 $0xFFFFF086;
	s6 =	sadd.s32 @!p0 s3, s7;
	s7 =	simm.s32 @!p0 $0x108  }
0x21: {  	s3 =	sadd.s32 s3, s9;
	s6 =	sadd.s32 @!p0 $0x88, s6;
	s7 =	simm.s32 @p2 $0x1082  }
0x22: {  	[simem:s7], [sflag:s8] =	dma.local @!p0 [hbm:s6], $0xF7A  }
0x23: {  	s9 =	sor.u32 $0xD0000000, s2;
	s6 =	simm.s32 $0x108;
	_ =	swait.ge @!p0 [sflag:s8], $0x0  }
0x24: {  	s3 =	sadd.s32 $0x88, s3;
	s6 =	simm.s32 @!p1 $0x1082;
	[sflag:s4] =	ssyncset.s32 $0xFFFFF086  }
0x25: {  	[simem:s6], [sflag:s4] =	dma.local [hbm:s3], $0xF7A  }
0x26: {  	[smem:$0x3F9E] =	sst s1;
	(tag) =	ssettag s2;
	_ =	strace s9  }
0x27: {  	s1 =	sld [smem:$0x3FAE]  }
0x28: {  	s2 =	sld [smem:$0x3FAF]  }
0x29: {  	s4 =	sld [smem:$0x3FB1]  }
0x2a: {  	p0 =	seq.s32 s5, $0x0;
	s5 =	sld [smem:$0x3FB2]  }
0x2b: {  	s6 =	sld [smem:$0x3FB3]  }
0x2c: {  	s7 =	sld [smem:$0x3FB4]  }
0x2d: {  	s3 =	simm.s32 $0x108;
	s8 =	sld [smem:$0x3FB5]  }
0x2e: {  	s3 =	simm.s32 @!p0 $0x1082;
	s9 =	sld [smem:$0x3FB6]  }
0x2f: {  	lr =	sadd.s32 s0, s3;
	s0 =	sld [smem:$0x3FAD]  }
0x30: {  	s3 =	sld [smem:$0x3FB0]  }
0x31: {  	[smem:$0x3FB9] =	sst s10  }
0x32: {  	s10 =	sld [smem:$0x3FB7];
	_ =	sdelay $0x3  }
0x33: {  	p0 =	seq.s32 s10, $0x1;
	s10 =	sld [smem:$0x3FB9];
	_ =	sdelay $0x3  }
0x34: {  	[smem:$0x3FB9] =	sst s10  }
0x35: {  	s10 =	sld [smem:$0x3FB8];
	_ =	sdelay $0x3  }
0x36: {  	p1 =	seq.s32 s10, $0x1;
	s10 =	sld [smem:$0x3FB9];
	_ =	sdelay $0x3  }
0x37: {  	[smem:$0x3FB9] =	sst s10  }
0x38: {  	s10 =	sld [smem:$0x3FBA]  }
0x39: {  	_ = 	snop;
	(pc) =	sbr.ind lr, $3  }
0x3a: {  	_ = 	snop  }
0x3b: {  	_ = 	snop  }
0x3c: {  	p2 =	seq.s32 s10, $0x1;
	s10 =	sld [smem:$0x3FB9]  }
0x3d: {  	_ =	shalt  }
0x3e: {  	_ =	shalt  }
0x3f: {  	_ =	shalt  }
0x40: {  	_ =	shalt  }
0x41: {  	_ =	shalt  }
0x42: {  	_ =	shalt  }
0x43: {  	_ =	shalt  }
0x44: {  	_ =	shalt  }
0x45: {  	_ =	shalt  }
0x46: {  	_ =	shalt  }
0x47: {  	_ =	shalt  }
0x48: {  	_ =	shalt  }
0x49: {  	_ =	shalt  }
0x4a: {  	_ =	shalt  }
0x4b: {  	_ =	shalt  }
0x4c: {  	_ =	shalt  }
0x4d: {  	_ =	shalt  }
0x4e: {  	_ =	shalt  }
0x4f: {  	_ =	shalt  }
0x50: {  	_ =	shalt  }
0x51: {  	_ =	shalt  }
0x52: {  	_ =	shalt  }
0x53: {  	_ =	shalt  }
0x54: {  	_ =	shalt  }
0x55: {  	_ =	shalt  }
0x56: {  	_ =	shalt  }
0x57: {  	_ =	shalt  }
0x58: {  	_ =	shalt  }
0x59: {  	_ =	shalt  }
0x5a: {  	_ =	shalt  }
0x5b: {  	_ =	shalt  }
0x5c: {  	_ =	shalt  }
0x5d: {  	_ =	shalt  }
0x5e: {  	_ =	shalt  }
0x5f: {  	_ =	shalt  }
0x60: {  	_ =	shalt  }
0x61: {  	_ =	shalt  }
0x62: {  	_ =	shalt  }
0x63: {  	_ =	shalt  }
0x64: {  	_ =	shalt  }
0x65: {  	_ =	shalt  }
0x66: {  	_ =	shalt  }
0x67: {  	_ =	shalt  }
0x68: {  	_ =	shalt  }
0x69: {  	_ =	shalt  }
0x6a: {  	_ =	shalt  }
0x6b: {  	_ =	shalt  }
0x6c: {  	_ =	shalt  }
0x6d: {  	_ =	shalt  }
0x6e: {  	_ =	shalt  }
0x6f: {  	_ =	shalt  }
0x70: {  	_ =	shalt  }
0x71: {  	_ =	shalt  }
0x72: {  	_ =	shalt  }
0x73: {  	_ =	shalt  }
0x74: {  	_ =	shalt  }
0x75: {  	_ =	shalt  }
0x76: {  	_ =	shalt  }
0x77: {  	_ =	shalt  }
0x78: {  	_ =	shalt  }
0x79: {  	_ =	shalt  }
0x7a: {  	_ =	shalt  }
0x7b: {  	_ =	shalt  }
0x7c: {  	_ =	shalt  }
0x7d: {  	_ =	shalt  }
0x7e: {  	_ =	shalt  }
0x7f: {  	_ =	shalt  }
0x80: {  	_ =	shalt  }
0x81: {  	_ =	shalt  }
0x82: {  	_ =	shalt  }
0x83: {  	_ =	shalt  }
0x84: {  	_ =	shalt  }
0x85: {  	_ =	shalt  }
0x86: {  	_ =	shalt  }
0x87: {  	_ =	shalt  }
.Lfunc_end0:
.L_simem_size_0:
called_computation_lowered:
.L_overlay_start_0:
0x88: {  	s2 =	sld [smem:$0x3FD9]  }
0x89: {  	s3 =	sld [smem:$0x3FFE];
	_ =	sdelay $0x1  }
0x8a: {  	s1 =	srdreg.scid  }
0x8b: {  	s0 =	sand.u32 $0x1, s1  }
0x8c: {  	s17 =	sshll.u32 s0, $0xA;
	s2 =	sadd.s32 s3, s2  }
0x8d: {  	s2 =	sadd.s32 s2, s17  }
0x8e: {  	[smem:$0x3FC5] =	sst s2  }
0x8f: {  	_ = 	snop  }
0x90: {  	s2 =	sld [smem:$0x3FD0];
	(tm) =	ssettm $0x1  }
0x91: {  	s18 =	sld [smem:$0x3FFB];
	_ =	sdelay $0x3  }
0x92: {  	_ =	strace s18  }
0x93: {  	s3 =	sld [smem:$0x3FFC];
	_ =	sdelay $0x3  }
0x94: {  	_ =	strace s3  }
0x95: {  	s3 =	sld [smem:$0x3FFD];
	_ =	sdelay $0x3  }
0x96: {  	_ =	strace s3  }
0x97: {  	_ =	strace $0x8FFFFFFF  }
0x98: {  	s19 =	sld [smem:$0x3FDB];
	_ =	sdelay $0x1  }
0x99: {  	s4 =	simm.s32 $_scs_section_size  }
0x9a: {  	s5 =	simm.s32 $_size__tile_overlayer_lowered;
	s6 =	simm.s32 $_tile_overlayer_lowered  }
0x9b: {  	s22 =	simm.s32 $0x1BFF;
	s21 =	sshll.u32 s6, $0x1;
	s3 =	sadd.s32 s4, s19  }
0x9c: {  	s7 =	simm.s32 $0x0;
	s20 =	sshll.u32 s5, $0x1;
	s5 =	sadd.s32 s21, s3  }
0x9d: {  	[timem:s7], [sflag:s22] =	dma.local [hbm:s5], s20  }
0x9e: {  	_ =	swait.ge [sflag:s22], s20  }
0x9f: {  	s4 =	ssub.s32 $0x0, s20;
	[sflag:s22] =	ssyncset.done $0x0  }
0xa0: {  	[sflag:s22] =	ssyncadd.s32 s4;
	_ =	sdelay $0x1  }
0xa1: {  	s23 =	simm.s32 $0x1B8B  }
0xa2: {  	_ =	swait.ge [sflag:s23], $0x1  }
0xa3: {  	[sflag:s23] =	ssyncset.done $0x0  }
0xa4: {  	s25 =	simm.s32 $0x1B8E;
	s24 =	sld [smem:$0x3FFE];
	[sflag:s23] =	ssyncadd.s32 $0xFFFFFFFF  }
0xa5: {  	s26 =	simm.s32 $execute0_lowered;
	[smem:$0x3FD2] =	sst s25  }
0xa6: {  	s5 =	sshll.u32 s26, $0x1;
	_ =	strace $0x80000046;
	[dreg:$0x1] =	wrdreg $0xFFFFFFFF  }
0xa7: {  	s28 =	simm.s32 $_size_execute0_lowered;
	s3 =	sadd.s32 s3, s5;
	[dreg:$0x0] =	wrdreg $0x0  }
0xa8: {  	s5 =	sshll.u32 s28, $0x1;
	[dreg:$0x2] =	wrdreg s3  }
0xa9: {  	[dreg:$0x3] =	wrdreg s5  }
0xaa: {  	[dreg:$0x4] =	wrdreg $0xC0  }
0xab: {  	_ =	task [dreg:s7], $0x5FFFF  }
0xac: {  	[dreg:$0x1] =	wrdreg $0xFFFFFFFF  }
0xad: {  	[dreg:$0x0] =	wrdreg $0x60  }
0xae: {  	[dreg:$0x2] =	wrdreg s2  }
0xaf: {  	[dreg:$0x3] =	wrdreg s24  }
0xb0: {  	[dreg:$0x4] =	wrdreg $0x9  }
0xb1: {  	_ =	task.clear_ibuf [dreg:s7], $0x5FFFF;
	_ =	strace $0x90000046  }
0xb2: {  	s29 =	simm.s32 $0x9;
	_ =	strace $0x80000048  }
0xb3: {  	_ =	swait.ge [sflag:s29], $0x1  }
0xb4: {  	[sflag:s29] =	ssyncadd.s32 $0xFFFFFFFF  }
0xb5: {  	_ =	strace $0x90000048  }
0xb6: {  	_ =	sfence  }
0xb7: {  	s30 =	sld [smem:$0x0];
	_ =	sdelay $0x2  }
0xb8: {  	s31 =	sshll.u32 s1, $0xD;
	s1 =	sshrl.u32 s1, $0x2  }
0xb9: {  	s3 =	sand.u32 $0x4000, s31;
	s1 =	sadd.s32 s1, s30  }
0xba: {  	s0 =	sor.u32 s3, s0;
	s1 =	sshll.u32 s1, $0x11  }
0xbb: {  	s0 =	sor.u32 s1, s0  }
0xbc: {  	s0 =	sadd.s32 $0x8F2B, s0  }
0xbd: {  	[sflag:s0] =	ssyncadd.remote.s32 $0x1  }
0xbe: {  	_ =	sfence.sel $0xFFFF  }
0xbf: {  	[dreg:$0x0] =	wrdreg $0xFFFFFFFF;
	(pc) =	sbr.abs _section_cstart, $3  }
0xc0: {  	[dreg:$0x1] =	wrdreg $0xFFFFFFFF  }
0xc1: {  	_ =	task.clear_ibuf [dreg:s7], $0x2FFFF;
	_ =	strace $0x9FFFFFFF  }
0xc2: {  	(tm) =	ssettm $0x7FFFFFFF  }
0xc3: {  	_ =	shalt  }
tec
execute0_lowered:
.L_overlay_start_1:
0x0: {  	(tag) =	ssettag $0x1  }
0x1: {  	s2 =	rddreg [dreg:$0x0]  }
0x2: {  	s7 =	rddreg [dreg:$0x1]  }
0x3: {  	s0 =	rddreg [dreg:$0x2]  }
0x4: {  	s1 =	srdreg.scid;
	_ =	strace $0x80000047;
	s4 =	simm.s32 $0x1  }
0x5: {  	s9 =	simm.s32 $0x3;
	s11 =	simm.s32 $0x0;
	s5 =	sshll.u32 s1, $0x4  }
.Ltmp0:
0x6: {  	s1 =	stileid.u32;
	s5 =	sand.u32 $0x10, s5;
	(pc) =	sbr.rel .LBB2_1-.Ltmp0, $4  }
0x7: {  	p0 =	por $0x0, $0x0;
	s3 =	sadd.s32 $0xC00, s7;
	s6 =	sor.u32 s1, s5  }
0x8: {  	[sflag:s4] =	ssyncpa.u1 $0x0;
	s5 =	simm.s32 $0x2;
	s6 =	sshll.u32 s6, $0x9  }
0x9: {  	s7 =	sadd.s32 $0x1400, s7;
	[sflag:s5] =	ssyncpa.u1 $0x0;
	s8 =	sadd.s32 $0x200, s6  }
0xa: {  	vm0 =	vmmov $0xff;
	vm1 =	vcmask $0x3F20;
	[sflag:s9] =	ssyncpa.u1 $0x0;
	s10 =	smov.u32 s6;
	s9 =	simm.s32 $0x0  }
.LBB2_7:
0xb: {  	p1 =	slt.u32 s9, $0x2;
	s11 =	sadd.s32 $0x100, s10  }
0xc: {  	s13 =	smov.u32 s6;
	s9 =	sadd.s32 $0x1, s9;
	p2 =	slt.s32 s11, s8  }
0xd: {  	s13 =	smov.u32 @p2 s11;
	p2 =	sne.s32 s9, $0x4  }
.Ltmp1:
0xe: {  	_ = 	snop;
	(pc) =	sbr.rel @!p2 .LBB2_8-.Ltmp1, $4  }
0xf: {  	s12 =	simm.s32 @!p1 $0x3  }
0x10: {  	_ =	swait.ge @!p1 [sflag:s12], $0x8000  }
0x11: {  	p0 =	por !p0, !p0;
	[sflag:s12] =	ssyncset.done @!p1 $0x0  }
0x12: {  	s11 =	smov.u32 s10;
	s10 =	smov.u32 s13;
	[sflag:s12] =	ssyncadd.s32 @!p1 $0xFFFF8000  }
.LBB2_1:
0x13: {  	p1 =	sgt.u32 s9, $0x1  }
0x14: {  	s12 =	sshll.u32 @!p1 s9, $0x8;
	s13 =	sshrl.u32 @!p1 s10, $0x3  }
0x15: {  	s14 =	sand.u32 @!p1 $0x7, s10;
	s12 =	sxor.u32 @!p1 $0x100, s12;
	s13 =	sadd.s32 @!p1 s3, s13  }
0x16: {  	[tilespmem:s12], [sflag:$0x2] =	stream.linear.gather @!p1 [hbm4b:s13+s14], $0x100, $0x38;
	[tilespmem:$0x10200] =	vst v63  }
0x17: {  	p1 =	seq.s32 s9, $0x0  }
0x18: {  	p2 =	seq.s32 @!p1 s9, $0x3  }
0x19: {  	p1 =	por p1, p2  }
.Ltmp2:
0x1a: {  	_ = 	snop;
	(pc) =	sbr.rel @p1 .LBB2_7-.Ltmp2, $1  }
0x1b: {  	_ =	sdelay $0x3  }
0x1c: {  	s12 =	simm.s32 $0x1  }
0x1d: {  	_ =	swait.ge [sflag:s5], $0x100;
	s12 =	simm.s32 @!p0 $0x0  }
0x1e: {  	[sflag:s5] =	ssyncset.done $0x0;
	s14 =	sshll.u32 s12, $0x8  }
0x1f: {  	[sflag:s5] =	ssyncadd.s32 $0xFFFFFF00;
	s13 =	sadd.s32 $0x0, s14  }
0x20: {  	v0 =	vld.msk [tilespmem:s13+$0x0 ss:$0x1], $0xffff;
	_ =	sdelay $0x4  }
0x21: {  	vm2 =	vgt.s32 v0, $0x0  }
0x22: {  	v0 =	vnsel vm2, $0x0, v0  }
0x23: {  	v0 =	vmin.u32 v0, $0x3FFF  }
0x24: {  	v0 =	vshll.u32 v0, $0x4;
	_ =	sdelay $0x2  }
0x25: {  	s12 =	sshll.u32 s12, $0xF  }
0x26: {  	s12 =	sor.u32 $0x200, s12  }
0x27: {  	[tilespmem:s12], [sflag:$0x1] =	stream.indirect_vreg.gather [hbm:s2], $0x80, v0, vm0, $0x38;
	[tilespmem:$0x10200] =	vst v63  }
0x28: {  	s15 =	sadd.s32 $0x10, s14;
	s13 =	sadd.s32 $0x400, s12  }
0x29: {  	[tilespmem:s13], [sflag:$0x1] =	stream.indirect_vreg.gather [hbm:s2], $0x80, v0, vm1, $0x38;
	[tilespmem:$0x10200] =	vst v63  }
0x2a: {  	s16 =	simm.s32 $0x80;
	v0 =	vld.msk [tilespmem:s15+$0x0 ss:$0x1], $0xffff;
	s15 =	smov.u32 s12  }
.LBB2_3:
0x2b: {  	p1 =	sne.s32 s16, $0x3C0;
	_ =	sdelay $0x4  }
0x2c: {  	vm2 =	vgt.s32 v0, $0x0  }
0x2d: {  	v0 =	vnsel vm2, $0x0, v0  }
0x2e: {  	v0 =	vmin.u32 v0, $0x3FFF  }
0x2f: {  	v0 =	vshll.u32 v0, $0x4;
	_ =	sdelay $0x3  }
.Ltmp3:
0x30: {  	s17 =	sshra.s32 s16, $0x2;
	s15 =	sadd.s32 $0x800, s15;
	(pc) =	sbr.rel @p1 .LBB2_3-.Ltmp3, $4  }
0x31: {  	[tilespmem:s15], [sflag:$0x1] =	stream.indirect_vreg.gather [hbm:s2], $0x80, v0, vm0, $0x38;
	[tilespmem:$0x10200] =	vst v63  }
0x32: {  	s17 =	sadd.s32 s17, s14;
	s18 =	sadd.s32 $0x400, s15  }
0x33: {  	[tilespmem:s18], [sflag:$0x1] =	stream.indirect_vreg.gather [hbm:s2], $0x80, v0, vm1, $0x38;
	[tilespmem:$0x10200] =	vst v63  }
0x34: {  	s16 =	sadd.s32 $0x40, s16;
	v0 =	vld.msk [tilespmem:s17+$0x0 ss:$0x1], $0xffff  }
0x35: {  	_ =	sdelay $0x3  }
0x36: {  	vm2 =	vgt.s32 v0, $0x0  }
0x37: {  	v0 =	vnsel vm2, $0x0, v0  }
0x38: {  	v0 =	vmin.u32 v0, $0x3FFF  }
0x39: {  	v0 =	vshll.u32 v0, $0x4;
	_ =	sdelay $0x3  }
0x3a: {  	s14 =	sadd.s32 $0x800, s15  }
0x3b: {  	[tilespmem:s14], [sflag:$0x1] =	stream.indirect_vreg.gather [hbm:s2], $0x80, v0, vm0, $0x38;
	[tilespmem:$0x10200] =	vst v63  }
0x3c: {  	s14 =	sadd.s32 $0x400, s14  }
0x3d: {  	[tilespmem:s14], [sflag:$0x1] =	stream.indirect_vreg.gather [hbm:s2], $0x80, v0, vm1, $0x38;
	[tilespmem:$0x10200] =	vst v63  }
0x3e: {  	s11 =	sshll.u32 s11, $0x4;
	_ =	swait.ge [sflag:s4], $0x8000  }
0x3f: {  	s11 =	sadd.s32 s11, s7;
	[sflag:s4] =	ssyncset.done $0x0  }
0x40: {  	s15 =	sadd.s32 $0x0, s11;
	s14 =	simm.s32 $0x80;
	[sflag:s4] =	ssyncadd.s32 $0xFFFF8000  }
.LBB2_5:
0x41: {  	[hbm:s15] =	stream.linear.scatter [tilespmem:s12], [sflag:$0x3], $0x400, $0x38;
	[tilespmem:$0x10200] =	vst v63  }
0x42: {  	s15 =	smov.u32 s14;
	s12 =	smov.u32 s13;
	p1 =	sne.s32 s14, $0xF80  }
.Ltmp4:
0x43: {  	s14 =	sadd.s32 $0x80, s14;
	(pc) =	sbr.rel @p1 .LBB2_5-.Ltmp4, $2  }
0x44: {  	_ =	sdelay $0x2  }
0x45: {  	s13 =	sadd.s32 $0x400, s13;
	s15 =	sadd.s32 s15, s11  }
.Ltmp5:
0x46: {  	(pc) =	sbr.rel .LBB2_7-.Ltmp5, $2  }
0x47: {  	_ =	sdelay $0x2  }
0x48: {  	[hbm:s15] =	stream.linear.scatter [tilespmem:s12], [sflag:$0x3], $0x400, $0x38;
	[tilespmem:$0x10200] =	vst v63  }
.LBB2_8:
0x49: {  	_ =	sfence.sel $0x180000  }
0x4a: {  	s2 =	simm.s32 $0x2;
	[bflag:$0x0] =	sbarrier.arrive $0xFFFF  }
0x4b: {  	s30 =	simm.s32 $0x3;
	[sflag:s2] =	ssyncpa.u1 $0x1  }
0x4c: {  	s31 =	simm.s32 $0x1;
	[sflag:s30] =	ssyncpa.u1 $0x1  }
0x4d: {  	[sflag:s31] =	ssyncpa.u1 $0x1  }
0x4e: {  	p0 =	sne.s32 s1, $0x0;
	_ =	strace $0x90000047  }
0x4f: {  	s0 =	sadd.s32 @!p0 $0x100000, s0;
	[bflag:$0x2] =	sbarrier.arrive $0xFFFF  }
0x50: {  	[sflag:s0] =	ssyncadd.tile.s32 @!p0 $0x1;
	_ =	shalt  }
.Lfunc_end2:
_tile_overlayer_lowered:
.L_overlay_start_2:
0x51: {  	(tag) =	ssettag $0x2  }
0x52: {  	s0 =	rddreg [dreg:$0x0];
	s2 =	stileid.u32  }
0x53: {  	s1 =	rddreg [dreg:$0x1];
	p0 =	sne.s32 s2, $0x0  }
0x54: {  	s3 =	rddreg [dreg:$0x2];
	[bflag:$0x3] =	sbarrier.arrive $0xFFFF;
	s2 =	simm.s32 @!p0 $0x1C01  }
0x55: {  	[timem:s3], [sflag:s2] =	dma.local @!p0 [hbm:s0], s1  }
0x56: {  	s0 =	simm.s32 @!p0 $0x1  }
0x57: {  	_ =	swait.ge @!p0 [sflag:s0], s1  }
0x58: {  	s1 =	ssub.s32 @!p0 $0x0, s1;
	[sflag:s0] =	ssyncset.done @!p0 $0x0  }
0x59: {  	[sflag:s0] =	ssyncadd.s32 @!p0 s1  }
0x5a: {  	[bflag:$0x3] =	sbarrier.arrive $0xFFFF  }
0x5b: {  	_ =	shalt  }

// kernel: kernel.5.cloned.1.call-start
scs
__scs_entry_jumppad:
0x0: {  	(pc) =	sbr.rel $0x88, $3  }
0x1: {  	(tag) =	ssettag $0x0;
	lr =	simm.s32 $0x1  }
0x2: {  	[smem:$0x3F9E] =	sst lr;
	_ =	strace $0xD0000000  }
0x3: {  	_ = 	snop  }
0x4: {  	_ = 	snop  }
0x5: {  	_ = 	snop  }
0x6: {  	_ = 	snop  }
0x7: {  	_ = 	snop  }
__scs_overlays_trampoline_lowered:
0x8: {  	[smem:$0x3FAD] =	sst s0  }
0x9: {  	[smem:$0x3FAE] =	sst s1  }
0xa: {  	[smem:$0x3FAF] =	sst s2  }
0xb: {  	[smem:$0x3FB0] =	sst s3  }
0xc: {  	[smem:$0x3FB1] =	sst s4  }
0xd: {  	[smem:$0x3FB2] =	sst s5  }
0xe: {  	[smem:$0x3FB3] =	sst s6  }
0xf: {  	[smem:$0x3FB4] =	sst s7  }
0x10: {  	[smem:$0x3FB5] =	sst s8  }
0x11: {  	[smem:$0x3FB6] =	sst s9;
	s0 =	simm.s32 @!p0 $0x0  }
0x12: {  	s1 =	sld [smem:$0x3F9C];
	s0 =	simm.s32 @p0 $0x1  }
0x13: {  	[smem:$0x3FB7] =	sst s0;
	s0 =	simm.s32 @!p1 $0x0  }
0x14: {  	s2 =	sld [smem:$0x3F9B];
	s0 =	simm.s32 @p1 $0x1  }
0x15: {  	[smem:$0x3FB8] =	sst s0;
	s0 =	simm.s32 @!p2 $0x0  }
0x16: {  	s3 =	sld [smem:$0x3FDB];
	s0 =	simm.s32 @p2 $0x1  }
0x17: {  	s4 =	simm.s32 $0x1BF5;
	[smem:$0x3FBA] =	sst s0  }
0x18: {  	s0 =	sld [smem:$0x3F9D];
	_ =	swait.ge [sflag:s4], $0x0  }
0x19: {  	s7 =	sld [smem:$0x3F9E]  }
0x1a: {  	s8 =	sadd.s32 $0xFFFFE003, lr  }
0x1b: {  	s9 =	sadd.s32 $0xFFFFFEF7, lr;
	s5 =	simm.s32 $0xFFFFFFFF;
	p2 =	slt.u32 s8, $0xFFFFF086  }
0x1c: {  	p1 =	slt.u32 s9, $0xF7A;
	s5 =	simm.s32 @!p2 $0x0  }
0x1d: {  	s5 =	simm.s32 @p1 $0x1;
	p0 =	seq.s32 s7, s2  }
0x1e: {  	s7 =	smul.u32 @!p0 $0xF7A, s2;
	p2 =	seq.s32 @!p0 s5, $0x0  }
0x1f: {  	s9 =	smul.u32 $0xF7A, s1;
	s8 =	simm.s32 @!p0 $0x1BF5;
	p2 =	por !p2, p0  }
0x20: {  	[sflag:s8] =	ssyncset.s32 @!p0 $0xFFFFF086;
	s6 =	sadd.s32 @!p0 s3, s7;
	s7 =	simm.s32 @!p0 $0x108  }
0x21: {  	s3 =	sadd.s32 s3, s9;
	s6 =	sadd.s32 @!p0 $0x88, s6;
	s7 =	simm.s32 @p2 $0x1082  }
0x22: {  	[simem:s7], [sflag:s8] =	dma.local @!p0 [hbm:s6], $0xF7A  }
0x23: {  	s9 =	sor.u32 $0xD0000000, s2;
	s6 =	simm.s32 $0x108;
	_ =	swait.ge @!p0 [sflag:s8], $0x0  }
0x24: {  	s3 =	sadd.s32 $0x88, s3;
	s6 =	simm.s32 @!p1 $0x1082;
	[sflag:s4] =	ssyncset.s32 $0xFFFFF086  }
0x25: {  	[simem:s6], [sflag:s4] =	dma.local [hbm:s3], $0xF7A  }
0x26: {  	[smem:$0x3F9E] =	sst s1;
	(tag) =	ssettag s2;
	_ =	strace s9  }
0x27: {  	s1 =	sld [smem:$0x3FAE]  }
0x28: {  	s2 =	sld [smem:$0x3FAF]  }
0x29: {  	s4 =	sld [smem:$0x3FB1]  }
0x2a: {  	p0 =	seq.s32 s5, $0x0;
	s5 =	sld [smem:$0x3FB2]  }
0x2b: {  	s6 =	sld [smem:$0x3FB3]  }
0x2c: {  	s7 =	sld [smem:$0x3FB4]  }
0x2d: {  	s3 =	simm.s32 $0x108;
	s8 =	sld [smem:$0x3FB5]  }
0x2e: {  	s3 =	simm.s32 @!p0 $0x1082;
	s9 =	sld [smem:$0x3FB6]  }
0x2f: {  	lr =	sadd.s32 s0, s3;
	s0 =	sld [smem:$0x3FAD]  }
0x30: {  	s3 =	sld [smem:$0x3FB0]  }
0x31: {  	[smem:$0x3FB9] =	sst s10  }
0x32: {  	s10 =	sld [smem:$0x3FB7];
	_ =	sdelay $0x3  }
0x33: {  	p0 =	seq.s32 s10, $0x1;
	s10 =	sld [smem:$0x3FB9];
	_ =	sdelay $0x3  }
0x34: {  	[smem:$0x3FB9] =	sst s10  }
0x35: {  	s10 =	sld [smem:$0x3FB8];
	_ =	sdelay $0x3  }
0x36: {  	p1 =	seq.s32 s10, $0x1;
	s10 =	sld [smem:$0x3FB9];
	_ =	sdelay $0x3  }
0x37: {  	[smem:$0x3FB9] =	sst s10  }
0x38: {  	s10 =	sld [smem:$0x3FBA]  }
0x39: {  	_ = 	snop;
	(pc) =	sbr.ind lr, $3  }
0x3a: {  	_ = 	snop  }
0x3b: {  	_ = 	snop  }
0x3c: {  	p2 =	seq.s32 s10, $0x1;
	s10 =	sld [smem:$0x3FB9]  }
0x3d: {  	_ =	shalt  }
0x3e: {  	_ =	shalt  }
0x3f: {  	_ =	shalt  }
0x40: {  	_ =	shalt  }
0x41: {  	_ =	shalt  }
0x42: {  	_ =	shalt  }
0x43: {  	_ =	shalt  }
0x44: {  	_ =	shalt  }
0x45: {  	_ =	shalt  }
0x46: {  	_ =	shalt  }
0x47: {  	_ =	shalt  }
0x48: {  	_ =	shalt  }
0x49: {  	_ =	shalt  }
0x4a: {  	_ =	shalt  }
0x4b: {  	_ =	shalt  }
0x4c: {  	_ =	shalt  }
0x4d: {  	_ =	shalt  }
0x4e: {  	_ =	shalt  }
0x4f: {  	_ =	shalt  }
0x50: {  	_ =	shalt  }
0x51: {  	_ =	shalt  }
0x52: {  	_ =	shalt  }
0x53: {  	_ =	shalt  }
0x54: {  	_ =	shalt  }
0x55: {  	_ =	shalt  }
0x56: {  	_ =	shalt  }
0x57: {  	_ =	shalt  }
0x58: {  	_ =	shalt  }
0x59: {  	_ =	shalt  }
0x5a: {  	_ =	shalt  }
0x5b: {  	_ =	shalt  }
0x5c: {  	_ =	shalt  }
0x5d: {  	_ =	shalt  }
0x5e: {  	_ =	shalt  }
0x5f: {  	_ =	shalt  }
0x60: {  	_ =	shalt  }
0x61: {  	_ =	shalt  }
0x62: {  	_ =	shalt  }
0x63: {  	_ =	shalt  }
0x64: {  	_ =	shalt  }
0x65: {  	_ =	shalt  }
0x66: {  	_ =	shalt  }
0x67: {  	_ =	shalt  }
0x68: {  	_ =	shalt  }
0x69: {  	_ =	shalt  }
0x6a: {  	_ =	shalt  }
0x6b: {  	_ =	shalt  }
0x6c: {  	_ =	shalt  }
0x6d: {  	_ =	shalt  }
0x6e: {  	_ =	shalt  }
0x6f: {  	_ =	shalt  }
0x70: {  	_ =	shalt  }
0x71: {  	_ =	shalt  }
0x72: {  	_ =	shalt  }
0x73: {  	_ =	shalt  }
0x74: {  	_ =	shalt  }
0x75: {  	_ =	shalt  }
0x76: {  	_ =	shalt  }
0x77: {  	_ =	shalt  }
0x78: {  	_ =	shalt  }
0x79: {  	_ =	shalt  }
0x7a: {  	_ =	shalt  }
0x7b: {  	_ =	shalt  }
0x7c: {  	_ =	shalt  }
0x7d: {  	_ =	shalt  }
0x7e: {  	_ =	shalt  }
0x7f: {  	_ =	shalt  }
0x80: {  	_ =	shalt  }
0x81: {  	_ =	shalt  }
0x82: {  	_ =	shalt  }
0x83: {  	_ =	shalt  }
0x84: {  	_ =	shalt  }
0x85: {  	_ =	shalt  }
0x86: {  	_ =	shalt  }
0x87: {  	_ =	shalt  }
.Lfunc_end0:
.L_simem_size_0:
called_computation.1_lowered:
.L_overlay_start_0:
0x88: {  	s2 =	sld [smem:$0x3FD9]  }
0x89: {  	s3 =	sld [smem:$0x3FFE];
	_ =	sdelay $0x1  }
0x8a: {  	s1 =	srdreg.scid  }
0x8b: {  	s0 =	sand.u32 $0x1, s1  }
0x8c: {  	s17 =	sshll.u32 s0, $0xA;
	s2 =	sadd.s32 s3, s2  }
0x8d: {  	s2 =	sadd.s32 s2, s17  }
0x8e: {  	[smem:$0x3FC5] =	sst s2  }
0x8f: {  	_ = 	snop  }
0x90: {  	s2 =	sld [smem:$0x3FD0];
	(tm) =	ssettm $0x1  }
0x91: {  	s18 =	sld [smem:$0x3FFB];
	_ =	sdelay $0x3  }
0x92: {  	_ =	strace s18  }
0x93: {  	s3 =	sld [smem:$0x3FFC];
	_ =	sdelay $0x3  }
0x94: {  	_ =	strace s3  }
0x95: {  	s3 =	sld [smem:$0x3FFD];
	_ =	sdelay $0x3  }
0x96: {  	_ =	strace s3  }
0x97: {  	_ =	strace $0x8FFFFFFF  }
0x98: {  	s19 =	sld [smem:$0x3FDB];
	_ =	sdelay $0x1  }
0x99: {  	s4 =	simm.s32 $_scs_section_size  }
0x9a: {  	s5 =	simm.s32 $_size__tile_overlayer_lowered;
	s6 =	simm.s32 $_tile_overlayer_lowered  }
0x9b: {  	s22 =	simm.s32 $0x1BFF;
	s21 =	sshll.u32 s6, $0x1;
	s3 =	sadd.s32 s4, s19  }
0x9c: {  	s7 =	simm.s32 $0x0;
	s20 =	sshll.u32 s5, $0x1;
	s5 =	sadd.s32 s21, s3  }
0x9d: {  	[timem:s7], [sflag:s22] =	dma.local [hbm:s5], s20  }
0x9e: {  	_ =	swait.ge [sflag:s22], s20  }
0x9f: {  	s4 =	ssub.s32 $0x0, s20;
	[sflag:s22] =	ssyncset.done $0x0  }
0xa0: {  	[sflag:s22] =	ssyncadd.s32 s4;
	_ =	sdelay $0x1  }
0xa1: {  	s23 =	simm.s32 $0x1B8B  }
0xa2: {  	_ =	swait.ge [sflag:s23], $0x1  }
0xa3: {  	[sflag:s23] =	ssyncset.done $0x0  }
0xa4: {  	s25 =	simm.s32 $0x1B8E;
	s24 =	sld [smem:$0x3FFE];
	[sflag:s23] =	ssyncadd.s32 $0xFFFFFFFF  }
0xa5: {  	s26 =	simm.s32 $execute0_lowered;
	[smem:$0x3FD2] =	sst s25  }
0xa6: {  	s5 =	sshll.u32 s26, $0x1;
	_ =	strace $0x80000049;
	[dreg:$0x1] =	wrdreg $0xFFFFFFFF  }
0xa7: {  	s28 =	simm.s32 $_size_execute0_lowered;
	s3 =	sadd.s32 s3, s5;
	[dreg:$0x0] =	wrdreg $0x0  }
0xa8: {  	s5 =	sshll.u32 s28, $0x1;
	[dreg:$0x2] =	wrdreg s3  }
0xa9: {  	[dreg:$0x3] =	wrdreg s5  }
0xaa: {  	[dreg:$0x4] =	wrdreg $0xC0  }
0xab: {  	_ =	task [dreg:s7], $0x5FFFF  }
0xac: {  	[dreg:$0x1] =	wrdreg $0xFFFFFFFF  }
0xad: {  	[dreg:$0x0] =	wrdreg $0x60  }
0xae: {  	[dreg:$0x2] =	wrdreg s24  }
0xaf: {  	[dreg:$0x3] =	wrdreg s2  }
0xb0: {  	[dreg:$0x4] =	wrdreg $0x9  }
0xb1: {  	_ =	task.clear_ibuf [dreg:s7], $0x5FFFF;
	_ =	strace $0x90000049  }
0xb2: {  	s29 =	simm.s32 $0x9;
	_ =	strace $0x8000004B  }
0xb3: {  	_ =	swait.ge [sflag:s29], $0x1  }
0xb4: {  	[sflag:s29] =	ssyncadd.s32 $0xFFFFFFFF  }
0xb5: {  	_ =	strace $0x9000004B  }
0xb6: {  	_ =	sfence  }
0xb7: {  	s30 =	sld [smem:$0x0];
	_ =	sdelay $0x2  }
0xb8: {  	s31 =	sshll.u32 s1, $0xD;
	s1 =	sshrl.u32 s1, $0x2  }
0xb9: {  	s3 =	sand.u32 $0x4000, s31;
	s1 =	sadd.s32 s1, s30  }
0xba: {  	s0 =	sor.u32 s3, s0;
	s1 =	sshll.u32 s1, $0x11  }
0xbb: {  	s0 =	sor.u32 s1, s0  }
0xbc: {  	s0 =	sadd.s32 $0x8F2B, s0  }
0xbd: {  	[sflag:s0] =	ssyncadd.remote.s32 $0x1  }
0xbe: {  	_ =	sfence.sel $0xFFFF  }
0xbf: {  	[dreg:$0x0] =	wrdreg $0xFFFFFFFF;
	(pc) =	sbr.abs _section_cstart, $3  }
0xc0: {  	[dreg:$0x1] =	wrdreg $0xFFFFFFFF  }
0xc1: {  	_ =	task.clear_ibuf [dreg:s7], $0x2FFFF;
	_ =	strace $0x9FFFFFFF  }
0xc2: {  	(tm) =	ssettm $0x7FFFFFFF  }
0xc3: {  	_ =	shalt  }
tec
execute0_lowered:
.L_overlay_start_1:
0x0: {  	(tag) =	ssettag $0x1  }
0x1: {  	s1 =	srdreg.scid  }
0x2: {  	s0 =	stileid.u32;
	s4 =	rddreg [dreg:$0x0]  }
0x3: {  	s6 =	rddreg [dreg:$0x1];
	s2 =	simm.s32 $0x0;
	s15 =	simm.s32 $0x2  }
0x4: {  	s16 =	simm.s32 $0x6380;
	s17 =	simm.s32 $0x0;
	s11 =	smul.u32 $0x320000, s0  }
0x5: {  	s5 =	sand.u32 $0x1, s1;
	s1 =	rddreg [dreg:$0x2];
	s25 =	smul.u32 $0xC800, s0  }
0x6: {  	s24 =	sshll.u32 s0, $0x1;
	[smem:$0x7FF] =	sst s2;
	s13 =	smul.u32 $0x190000, s5  }
0x7: {  	s3 =	sadd.s32 $0x41400, s4;
	s7 =	sor.u32 s5, s24;
	s28 =	smul.u32 $0x6400, s5  }
0x8: {  	s14 =	sadd.s32 $0x801400, s4;
	s10 =	ssub.s32 $0x2, s5;
	s8 =	smul.u32 $0xC80, s7  }
0x9: {  	_ =	strace $0x8000004A;
	s9 =	smul.u32 $0x190000, s7;
	s12 =	sshrl.u32 s10, $0x1  }
0xa: {  	s7 =	smul.u32 $0x32000, s7;
	s10 =	ssub.s32 s10, s12;
	s29 =	sadd.s32 s13, s11  }
0xb: {  	s11 =	simm.s32 $0x6400;
	s12 =	simm.s32 $0x80;
	s13 =	simm.s32 $0x8400  }
0xc: {  	s4 =	sadd.s32 s6, s8;
	s26 =	sshrl.u32 s9, $0x3;
	s5 =	smax.u32 s10, $0x1  }
0xd: {  	s8 =	sadd.s32 s28, s25;
	s7 =	sadd.s32 s14, s7;
	s9 =	sshrl.u32 s29, $0x3  }
0xe: {  	s10 =	simm.s32 $0x3;
	s6 =	sadd.s32 s14, s26;
	s30 =	sshll.u32 s8, $0x3  }
0xf: {  	s7 =	sadd.s32 $0x31C00, s7;
	s8 =	sadd.s32 s9, s14;
	s31 =	sadd.s32 s30, s14  }
0x10: {  	s6 =	sadd.s32 $0x31800, s6;
	s14 =	simm.s32 $0x1;
	s9 =	sadd.s32 $0x400, s31  }
.LBB2_1:
0x11: {  	[tilespmem:s2], [sflag:$0x3] =	stream.linear.gather [hbm4b:s4+s2], $0x6400, $0x38;
	[tilespmem:$0xA400] =	vst v63  }
0x12: {  	_ =	swait.ge [sflag:s10], $0x6400  }
0x13: {  	[sflag:s10] =	ssyncset.done $0x0  }
0x14: {  	[sflag:s10] =	ssyncadd.s32 $0xFFFF9C00  }
0x15: {  	[tilespmem:s11], [sflag:$0x1] =	stream.indirect.gather [hbm4b:s3+s12], $0x40, s2, s12, $0xb8;
	[tilespmem:$0xA400] =	vst v63  }
0x16: {  	_ = 	snop  }
0x17: {  	[tilespmem:s13], [sflag:$0x2] =	stream.indirect.gather [hbm4b:s3+s12], $0x40, s12, s12, $0xb8;
	[tilespmem:$0xA400] =	vst v63  }
0x18: {  	_ =	swait.ge [sflag:s14], $0x2000  }
0x19: {  	[sflag:s14] =	ssyncset.done $0x0  }
0x1a: {  	s18 =	sadd.s32 $0x0, s8;
	[sflag:s14] =	ssyncadd.s32 $0xFFFFE000  }
0x1b: {  	[hbm4b:s18+s2] =	stream.linear.scatter [tilespmem:s11], [sflag:$0x3], $0x2000, $0x38;
	[tilespmem:$0xA400] =	vst v63  }
0x1c: {  	_ =	swait.ge [sflag:s10], $0x2000  }
0x1d: {  	[sflag:s10] =	ssyncset.done $0x0  }
0x1e: {  	s30 =	simm.s32 $0x100;
	[sflag:s10] =	ssyncadd.s32 $0xFFFFE000  }
0x1f: {  	[tilespmem:s11], [sflag:$0x1] =	stream.indirect.gather [hbm4b:s3+s12], $0x40, s30, s12, $0xb8;
	[tilespmem:$0xA400] =	vst v63  }
0x20: {  	_ =	swait.ge [sflag:s15], $0x2000  }
0x21: {  	[sflag:s15] =	ssyncset.done $0x0  }
0x22: {  	s31 =	sadd.s32 $0x0, s9;
	[sflag:s15] =	ssyncadd.s32 $0xFFFFE000  }
0x23: {  	[hbm4b:s31+s2] =	stream.linear.scatter [tilespmem:s13], [sflag:$0x3], $0x2000, $0x38;
	[tilespmem:$0xA400] =	vst v63  }
0x24: {  	_ =	swait.ge [sflag:s10], $0x2000  }
0x25: {  	s19 =	simm.s32 $0x80;
	s18 =	simm.s32 $0x800;
	[sflag:s10] =	ssyncset.done $0x0  }
.LBB2_2:
0x26: {  	p0 =	sne.s32 s18, $0x31000;
	[sflag:s10] =	ssyncadd.s32 $0xFFFFE000;
	s19 =	sadd.s32 $0x100, s19  }
0x27: {  	[tilespmem:s13], [sflag:$0x2] =	stream.indirect.gather [hbm4b:s3+s12], $0x40, s19, s12, $0xb8;
	[tilespmem:$0xA400] =	vst v63  }
0x28: {  	s20 =	smov.u32 s18;
	s18 =	sadd.s32 $0x800, s18;
	_ =	swait.ge [sflag:s14], $0x2000  }
0x29: {  	[sflag:s14] =	ssyncset.done $0x0  }
0x2a: {  	s21 =	sadd.s32 s20, s8;
	[sflag:s14] =	ssyncadd.s32 $0xFFFFE000  }
0x2b: {  	[hbm4b:s21+s2] =	stream.linear.scatter [tilespmem:s11], [sflag:$0x3], $0x2000, $0x38;
	[tilespmem:$0xA400] =	vst v63  }
0x2c: {  	_ =	swait.ge [sflag:s10], $0x2000  }
0x2d: {  	[sflag:s10] =	ssyncset.done $0x0  }
0x2e: {  	s21 =	sadd.s32 $0x80, s19;
	[sflag:s10] =	ssyncadd.s32 $0xFFFFE000  }
0x2f: {  	[tilespmem:s11], [sflag:$0x1] =	stream.indirect.gather [hbm4b:s3+s12], $0x40, s21, s12, $0xb8;
	[tilespmem:$0xA400] =	vst v63  }
0x30: {  	_ =	swait.ge [sflag:s15], $0x2000  }
.Ltmp0:
0x31: {  	[sflag:s15] =	ssyncset.done $0x0;
	(pc) =	sbr.rel @p0 .LBB2_2-.Ltmp0, $4  }
0x32: {  	s20 =	sadd.s32 s20, s9;
	[sflag:s15] =	ssyncadd.s32 $0xFFFFE000  }
0x33: {  	[hbm4b:s20+s2] =	stream.linear.scatter [tilespmem:s13], [sflag:$0x3], $0x2000, $0x38;
	[tilespmem:$0xA400] =	vst v63  }
0x34: {  	_ =	swait.ge [sflag:s10], $0x2000  }
0x35: {  	[sflag:s10] =	ssyncset.done $0x0  }
0x36: {  	[sflag:s10] =	ssyncadd.s32 $0xFFFFE000  }
0x37: {  	[tilespmem:s13], [sflag:$0x2] =	stream.indirect.gather [hbm4b:s3+s12], $0x40, s16, s12, $0xb8;
	[tilespmem:$0xA400] =	vst v63  }
0x38: {  	_ =	swait.ge [sflag:s14], $0x2000  }
0x39: {  	[sflag:s14] =	ssyncset.done $0x0  }
0x3a: {  	[sflag:s14] =	ssyncadd.s32 $0xFFFFE000  }
0x3b: {  	[hbm4b:s6+s2] =	stream.linear.scatter [tilespmem:s11], [sflag:$0x3], $0x2000, $0x38;
	[tilespmem:$0xA400] =	vst v63  }
0x3c: {  	_ =	swait.ge [sflag:s10], $0x2000  }
0x3d: {  	[sflag:s10] =	ssyncset.done $0x0  }
0x3e: {  	[sflag:s10] =	ssyncadd.s32 $0xFFFFE000  }
0x3f: {  	s17 =	sadd.s32 $0x1, s17;
	_ =	swait.ge [sflag:s15], $0x2000  }
0x40: {  	p0 =	sne.s32 s17, s5;
	[sflag:s15] =	ssyncset.done $0x0  }
.Ltmp1:
0x41: {  	[sflag:s15] =	ssyncadd.s32 $0xFFFFE000;
	(pc) =	sbr.rel @p0 .LBB2_1-.Ltmp1, $4  }
0x42: {  	[hbm4b:s7+s2] =	stream.linear.scatter [tilespmem:s13], [sflag:$0x3], $0x2000, $0x38;
	[tilespmem:$0xA400] =	vst v63  }
0x43: {  	_ =	swait.ge [sflag:s10], $0x2000  }
0x44: {  	[sflag:s10] =	ssyncset.done $0x0  }
0x45: {  	[sflag:s10] =	ssyncadd.s32 $0xFFFFE000  }
0x46: {  	_ =	sfence.sel $0x180000  }
0x47: {  	[bflag:$0x0] =	sbarrier.arrive $0xFFFF  }
0x48: {  	p0 =	sne.s32 s0, $0x0;
	_ =	strace $0x9000004A  }
0x49: {  	s0 =	sadd.s32 @!p0 $0x100000, s1;
	[bflag:$0x2] =	sbarrier.arrive $0xFFFF  }
0x4a: {  	[sflag:s0] =	ssyncadd.tile.s32 @!p0 $0x1;
	_ =	shalt  }
.Lfunc_end2:
_tile_overlayer_lowered:
.L_overlay_start_2:
0x4b: {  	(tag) =	ssettag $0x2  }
0x4c: {  	s0 =	rddreg [dreg:$0x0];
	s2 =	stileid.u32  }
0x4d: {  	s1 =	rddreg [dreg:$0x1];
	p0 =	sne.s32 s2, $0x0  }
0x4e: {  	s3 =	rddreg [dreg:$0x2];
	[bflag:$0x3] =	sbarrier.arrive $0xFFFF;
	s2 =	simm.s32 @!p0 $0x1C03  }
0x4f: {  	[timem:s3], [sflag:s2] =	dma.local @!p0 [hbm:s0], s1  }
0x50: {  	s0 =	simm.s32 @!p0 $0x3  }
0x51: {  	_ =	swait.ge @!p0 [sflag:s0], s1  }
0x52: {  	s1 =	ssub.s32 @!p0 $0x0, s1;
	[sflag:s0] =	ssyncset.done @!p0 $0x0  }
0x53: {  	[sflag:s0] =	ssyncadd.s32 @!p0 s1  }
0x54: {  	[bflag:$0x3] =	sbarrier.arrive $0xFFFF  }
0x55: {  	_ =	shalt  }

</sc_bundles>
